<compile_context>
chip_gen: v7x
topology: tpu7x:2x2x1
jax: 0.10.2.dev20260603
libtpu: 0.0.44.dev20260713+nightly
codegen_flags: <defaults>
</compile_context>

<pallas_src>
import jax
import jax.numpy as jnp
from jax.experimental import pallas as pl

B, H, L_Q, U, L_K = 4, 16, 4096, 128, 4096

ROWS_PER_BLOCK = 1024
N_ROWS = B * H * U
N_BLOCKS = N_ROWS // ROWS_PER_BLOCK
L_KW = L_K // 32


def _mask_kernel(q_ref, bnd_ref, out_ref):
    wb = jax.lax.broadcasted_iota(jnp.int32, out_ref.shape, 1)
    q = q_ref[...]
    boundary = jnp.where(wb == q, bnd_ref[...], 0)
    out_ref[...] = jnp.where(wb > q, -1, boundary)


def kernel(index, scores):
    del scores
    t = index.reshape(N_ROWS, 1).astype(jnp.int32) + 1
    q = t >> 5
    bnd = jnp.int32(-1) << (t & 31)
    row_spec = pl.BlockSpec((ROWS_PER_BLOCK, 1), lambda i: (i, 0))
    packed = pl.pallas_call(
        _mask_kernel,
        grid=(N_BLOCKS,),
        in_specs=[row_spec, row_spec],
        out_specs=pl.BlockSpec((ROWS_PER_BLOCK, L_KW), lambda i: (i, 0)),
        out_shape=jax.ShapeDtypeStruct((N_ROWS, L_KW), jnp.int32),
    )(q, bnd)
    words = jnp.repeat(packed, 32, axis=1)
    shifts = (jnp.arange(L_K, dtype=jnp.int32) & 31)[None, :]
    out = ((words >> shifts) & 1) != 0
    return out.reshape(B, H, U, L_K)

# --- scband reference (transcript-rebuilt; emitter-appended) ---
"""Pipeline reference for scband-prob-mask-20925080666786 (READ-ONLY COPY).

The authoritative reference and input builder live on the scoring server;
editing this copy changes nothing except your own understanding.
"""

import jax, jax.numpy as jnp
import numpy as np

B, H, L_Q, U, L_K = 4, 16, 4096, 128, 4096


def setup_inputs(seed: int = 0) -> dict:
    key = jax.random.key(seed)
    k1, k2 = jax.random.split(key)
    index = jax.random.randint(k1, (B, H, U), 0, L_Q)
    scores = jax.random.normal(k2, (B, H, U, L_K), dtype=jnp.float32)
    return {"index": index, "scores": scores}


def reference(index, scores):
    # _mask = ones(L_Q, L_K).triu(1)
    L_K_ = scores.shape[-1]
    _mask = jnp.triu(jnp.ones((L_Q, L_K_), dtype=bool), k=1)
    # _mask_ex = _mask[None, None].expand(B, H, L_Q, L_K); then gather rows by index
    # per-(b,h) batch arange indexing reduces to a plain row gather of _mask by index
    indicator = _mask[index]  # [B, H, U, L_K]
    return indicator.reshape(scores.shape)

if __name__ == "__main__":
    import jax
    _d = setup_inputs()
    print(jax.jit(kernel)(*tuple(_d.values())))

</pallas_src>

<mosaic_0001>
module attributes {stable_mosaic.version = 14 : i64} {
  func.func @_mask_kernel(%arg0: i32, %arg1: memref<1024x1xi32, #tpu.memory_space<vmem>>, %arg2: memref<1024x1xi32, #tpu.memory_space<vmem>>, %arg3: memref<1024x128xi32, #tpu.memory_space<vmem>>) attributes {dimension_semantics = [#tpu.dimension_semantics<arbitrary>], iteration_bounds = array<i64: 8>, scalar_prefetch = 0 : i64, scratch_operands = 0 : i64, tpu.core_type = #tpu.core_type<tc>, window_params = [{transform_indices = @transform_0, window_bounds = array<i64: 1024, 1>}, {transform_indices = @transform_1, window_bounds = array<i64: 1024, 1>}, {transform_indices = @transform_2, window_bounds = array<i64: 1024, 128>}]} {
    %iota3A = tpu.iota {dimensions = array<i32: 1>} : vector<1024x128xi32>
    %get3A = arith.constant 0 : index
    %get3A_0 = arith.constant 0 : index
    %get3A_1 = vector.load %arg1[%get3A, %get3A_0] : memref<1024x1xi32, #tpu.memory_space<vmem>>, vector<1024x1xi32>
    %eq3A = vector.broadcast %get3A_1 : vector<1024x1xi32> to vector<1024x128xi32>
    %eq3A_2 = arith.cmpi eq, %iota3A, %eq3A : vector<1024x128xi32>
    %get3A_3 = arith.constant 0 : index
    %get3A_4 = arith.constant 0 : index
    %get3A_5 = vector.load %arg2[%get3A_3, %get3A_4] : memref<1024x1xi32, #tpu.memory_space<vmem>>, vector<1024x1xi32>
    %jit3A = arith.constant 0 : i32
    %broadcast_in_dim3A = vector.shape_cast %get3A_5 : vector<1024x1xi32> to vector<1024x1xi32>
    %broadcast_in_dim3A_6 = vector.broadcast %broadcast_in_dim3A : vector<1024x1xi32> to vector<1024x128xi32>
    %broadcast_in_dim3A_7 = vector.broadcast %jit3A : i32 to vector<1024x128xi32>
    %select_n3A = arith.select %eq3A_2, %broadcast_in_dim3A_6, %broadcast_in_dim3A_7 : vector<1024x128xi1>, vector<1024x128xi32>
    %gt3A = vector.broadcast %get3A_1 : vector<1024x1xi32> to vector<1024x128xi32>
    %gt3A_8 = arith.cmpi sgt, %iota3A, %gt3A : vector<1024x128xi32>
    %jit3A_9 = arith.constant -1 : i32
    %broadcast_in_dim3A_10 = vector.broadcast %jit3A_9 : i32 to vector<1024x128xi32>
    %select_n3A_11 = arith.select %gt3A_8, %broadcast_in_dim3A_10, %select_n3A : vector<1024x128xi1>, vector<1024x128xi32>
    %swap3A = arith.constant 0 : index
    %swap3A_12 = arith.constant 0 : index
    %swap3A_13 = vector.load %arg3[%swap3A, %swap3A_12] : memref<1024x128xi32, #tpu.memory_space<vmem>>, vector<1024x128xi32>
    tpu.vector_store %arg3[%swap3A, %swap3A_12], %select_n3A_11 {strides = array<i32>} : memref<1024x128xi32, #tpu.memory_space<vmem>>, vector<1024x128xi32>,
    return
  }
  func.func @transform_0(%arg0: i32) -> (i32, i32) {
    %c0_i32 = arith.constant 0 : i32
    %c0_i32_0 = arith.constant 0 : i32
    return %arg0, %c0_i32 : i32, i32
  }
  func.func @transform_1(%arg0: i32) -> (i32, i32) {
    %c0_i32 = arith.constant 0 : i32
    %c0_i32_0 = arith.constant 0 : i32
    return %arg0, %c0_i32 : i32, i32
  }
  func.func @transform_2(%arg0: i32) -> (i32, i32) {
    %c0_i32 = arith.constant 0 : i32
    %c0_i32_0 = arith.constant 0 : i32
    return %arg0, %c0_i32 : i32, i32
  }
}

</mosaic_0001>

<sc_bundles>
// kernel: sparse-core-data-format-call.1.cloned.1.call-start
scs
called_computation.1_lowered:
.L_overlay_start_0:
0x0: {  	s1 =	sld [smem:$0x3FD9]  }
0x1: {  	s2 =	sld [smem:$0x3FFE];
	_ =	sdelay $0x1  }
0x2: {  	s3 =	srdreg.scid  }
0x3: {  	s0 =	sand.u32 $0x1, s3  }
0x4: {  	s17 =	sshll.u32 s0, $0xA;
	s1 =	sadd.s32 s2, s1  }
0x5: {  	s1 =	sadd.s32 s1, s17  }
0x6: {  	[smem:$0x3FC7] =	sst s1  }
0x7: {  	_ = 	snop  }
0x8: {  	(tm) =	ssettm $0x1  }
0x9: {  	s18 =	sld [smem:$0x3FFB];
	_ =	sdelay $0x3  }
0xa: {  	_ =	strace s18  }
0xb: {  	s1 =	sld [smem:$0x3FFC];
	_ =	sdelay $0x3  }
0xc: {  	_ =	strace s1  }
0xd: {  	s1 =	sld [smem:$0x3FFD];
	_ =	sdelay $0x3  }
0xe: {  	_ =	strace s1  }
0xf: {  	_ =	strace $0x8FFFFFFF  }
0x10: {  	s19 =	sld [smem:$0x3FDB];
	_ =	sdelay $0x1  }
0x11: {  	s20 =	simm.s32 $_scs_section_size  }
0x12: {  	s4 =	simm.s32 $_size__tile_overlayer_lowered;
	s5 =	simm.s32 $_tile_overlayer_lowered  }
0x13: {  	s23 =	simm.s32 $0x1BFF;
	s22 =	sshll.u32 s5, $0x1;
	s1 =	sadd.s32 s20, s19  }
0x14: {  	s6 =	simm.s32 $0x0;
	s21 =	sshll.u32 s4, $0x1;
	s4 =	sadd.s32 s22, s1  }
0x15: {  	[timem:s6], [sflag:s23] =	dma.local [hbm:s4], s21  }
0x16: {  	_ =	swait.ge [sflag:s23], s21  }
0x17: {  	s2 =	ssub.s32 $0x0, s21;
	[sflag:s23] =	ssyncset.done $0x0  }
0x18: {  	[sflag:s23] =	ssyncadd.s32 s2;
	_ =	sdelay $0x1  }
0x19: {  	s24 =	simm.s32 $0x1B8B  }
0x1a: {  	_ =	swait.ge [sflag:s24], $0x1  }
0x1b: {  	[sflag:s24] =	ssyncset.done $0x0  }
0x1c: {  	s26 =	simm.s32 $0x1B8E;
	s25 =	sld [smem:$0x3FFE];
	[sflag:s24] =	ssyncadd.s32 $0xFFFFFFFF  }
0x1d: {  	s27 =	simm.s32 $execute0_lowered;
	[smem:$0x3FD2] =	sst s26  }
0x1e: {  	s4 =	sshll.u32 s27, $0x1;
	_ =	strace $0x80000046;
	[dreg:$0x1] =	wrdreg $0xFFFFFFFF  }
0x1f: {  	s28 =	simm.s32 $_size_execute0_lowered;
	s1 =	sadd.s32 s1, s4;
	[dreg:$0x0] =	wrdreg $0x0  }
0x20: {  	s4 =	sshll.u32 s28, $0x1;
	[dreg:$0x2] =	wrdreg s1  }
0x21: {  	[dreg:$0x3] =	wrdreg s4  }
0x22: {  	[dreg:$0x4] =	wrdreg $0xC0  }
0x23: {  	_ =	task [dreg:s6], $0x5FFFF  }
0x24: {  	[dreg:$0x1] =	wrdreg $0xFFFFFFFF  }
0x25: {  	[dreg:$0x0] =	wrdreg $0x60  }
0x26: {  	[dreg:$0x2] =	wrdreg s25  }
0x27: {  	[dreg:$0x3] =	wrdreg $0x9  }
0x28: {  	_ =	task.clear_ibuf [dreg:s6], $0x4FFFF;
	_ =	strace $0x90000046  }
0x29: {  	s29 =	simm.s32 $0x9;
	_ =	strace $0x80000048  }
0x2a: {  	_ =	swait.ge [sflag:s29], $0x1  }
0x2b: {  	[sflag:s29] =	ssyncadd.s32 $0xFFFFFFFF  }
0x2c: {  	_ =	strace $0x90000048  }
0x2d: {  	_ =	sfence  }
0x2e: {  	s30 =	sld [smem:$0x0];
	_ =	sdelay $0x2  }
0x2f: {  	s31 =	sshll.u32 s3, $0xD;
	s3 =	sshrl.u32 s3, $0x2  }
0x30: {  	s2 =	sand.u32 $0x4000, s31;
	s1 =	sadd.s32 s3, s30  }
0x31: {  	s0 =	sor.u32 s2, s0;
	s1 =	sshll.u32 s1, $0x11  }
0x32: {  	s0 =	sor.u32 s1, s0  }
0x33: {  	s0 =	sadd.s32 $0x8F2B, s0  }
0x34: {  	[sflag:s0] =	ssyncadd.remote.s32 $0x1  }
0x35: {  	_ =	sfence.sel $0xFFFF  }
0x36: {  	[dreg:$0x0] =	wrdreg $0xFFFFFFFF;
	(pc) =	sbr.abs _section_cstart, $3  }
0x37: {  	[dreg:$0x1] =	wrdreg $0xFFFFFFFF  }
0x38: {  	_ =	task.clear_ibuf [dreg:s6], $0x2FFFF;
	_ =	strace $0x9FFFFFFF  }
0x39: {  	(tm) =	ssettm $0x7FFFFFFF  }
tec
execute0_lowered:
.L_overlay_start_1:
0x0: {  	(tag) =	ssettag $0x1  }
0x1: {  	s1 =	rddreg [dreg:$0x0]  }
0x2: {  	s0 =	rddreg [dreg:$0x1]  }
0x3: {  	_ =	strace $0x80000047;
	s4 =	srdreg.scid;
	s6 =	simm.s32 $0x2  }
0x4: {  	s11 =	simm.s32 $0x0;
	p0 =	por $0x0, $0x0;
	s7 =	simm.s32 $0x2000  }
.Ltmp0:
0x5: {  	s12 =	simm.s32 $0x0;
	s9 =	simm.s32 $0x0;
	(pc) =	sbr.rel .LBB1_1-.Ltmp0, $4  }
0x6: {  	s2 =	sadd.s32 $0xA00, s1;
	s3 =	sadd.s32 $0x400A00, s1;
	s5 =	sshll.u32 s4, $0x4  }
0x7: {  	s1 =	stileid.u32;
	s4 =	simm.s32 $0x1;
	s5 =	sand.u32 $0x10, s5  }
0x8: {  	s8 =	simm.s32 $0x0;
	[sflag:s4] =	ssyncpa.u1 $0x0;
	s5 =	sor.u32 s1, s5  }
0x9: {  	[sflag:s6] =	ssyncpa.u1 $0x0;
	s6 =	simm.s32 $0x800;
	s10 =	smov.u32 s5  }
.LBB1_7:
0xa: {  	s13 =	sadd.s32 $0x10, s9  }
0xb: {  	s11 =	sadd.s32 $0x20, s10;
	s15 =	smov.u32 s10;
	p2 =	sgt.s32 s13, $0x3F  }
0xc: {  	p1 =	slt.u32 s8, $0x2;
	s15 =	smov.u32 @p2 s11  }
0xd: {  	s8 =	sadd.s32 $0x1, s8;
	s13 =	simm.s32 @p2 $0x0;
	p2 =	sgt.s32 s15, $0x1FF  }
0xe: {  	s15 =	smov.u32 @p2 s5;
	p2 =	sne.s32 s8, $0x42  }
.Ltmp1:
0xf: {  	_ = 	snop;
	(pc) =	sbr.rel @!p2 .LBB1_8-.Ltmp1, $4  }
0x10: {  	s14 =	simm.s32 @!p1 $0x2  }
0x11: {  	s12 =	smov.u32 s10;
	_ =	swait.ge @!p1 [sflag:s14], $0x4000  }
0x12: {  	p0 =	por !p0, !p0;
	s11 =	smov.u32 s9;
	[sflag:s14] =	ssyncset.done @!p1 $0x0  }
0x13: {  	s9 =	smov.u32 s13;
	[sflag:s14] =	ssyncadd.s32 @!p1 $0xFFFFC000;
	s10 =	smov.u32 s15  }
.LBB1_1:
0x14: {  	p1 =	sgt.u32 s8, $0x3F  }
0x15: {  	s13 =	sxor.u32 @!p1 $0xFFFFFFFF, s8;
	s14 =	sshll.u32 @!p1 s10, $0xD  }
0x16: {  	s15 =	sshll.u32 @!p1 s9, $0x7;
	s13 =	sshll.u32 @!p1 s13, $0xE;
	s14 =	sadd.s32 @!p1 s2, s14  }
0x17: {  	s13 =	sand.u32 @!p1 $0x4000, s13;
	s14 =	sadd.s32 @!p1 s15, s14;
	s15 =	simm.s32 @!p1 $0x0  }
0x18: {  	[tilespmem:s13], [sflag:$0x1] =	stream.linear.gather @!p1 [hbm4b:s14+s15], $0x4000, $0x38;
	[tilespmem:$0x10000] =	vst v63  }
0x19: {  	p1 =	seq.s32 s8, $0x0  }
0x1a: {  	p2 =	seq.s32 @!p1 s8, $0x41  }
0x1b: {  	p1 =	por p1, p2  }
.Ltmp2:
0x1c: {  	_ = 	snop;
	(pc) =	sbr.rel @p1 .LBB1_7-.Ltmp2, $1  }
0x1d: {  	_ =	sdelay $0x3  }
0x1e: {  	s13 =	simm.s32 $0x1;
	_ =	swait.ge [sflag:s4], $0x4000;
	s16 =	sshll.u32 s8, $0xE  }
0x1f: {  	s13 =	simm.s32 @!p0 $0x0;
	[sflag:s4] =	ssyncset.done $0x0;
	s31 =	sand.u32 $0x4000, s16  }
0x20: {  	s16 =	simm.s32 $0x0;
	s14 =	sshll.u32 s13, $0xE;
	[sflag:s4] =	ssyncadd.s32 $0xFFFFC000  }
0x21: {  	s13 =	sor.u32 $0x8040, s14;
	s15 =	sor.u32 $0x40, s14;
	s14 =	sor.u32 $0x8000, s31  }
.LBB1_3:
0x22: {  	v0 =	vmov s15;
	_ =	sdelay $0x3  }
0x23: {  	s18 =	simm.s32 $0x0  }
0x24: {  	v6 =	vld.idx.msk [tilespmem:v0+s18+$0x30 ss:$0x1], $0xffff  }
0x25: {  	v7 =	vld.idx.msk [tilespmem:v0+s18+$0xFFFFFFC0 ss:$0x1], $0xffff  }
0x26: {  	v5 =	vld.idx.msk [tilespmem:v0+s18+$0xFFFFFFD0 ss:$0x1], $0xffff  }
0x27: {  	v4 =	vld.idx.msk [tilespmem:v0+s18+$0xFFFFFFE0 ss:$0x1], $0xffff  }
0x28: {  	v3 =	vld.idx.msk [tilespmem:v0+s18+$0xFFFFFFF0 ss:$0x1], $0xffff  }
0x29: {  	v1 =	vld.idx.msk [tilespmem:v0+s18+$0x0 ss:$0x1], $0xffff  }
0x2a: {  	v2 =	vld.idx.msk [tilespmem:v0+s18+$0x10 ss:$0x1], $0xffff;
	[tilespmem:s13+$0x30] =	vst v6  }
0x2b: {  	s17 =	simm.s32 $0x80;
	s19 =	simm.s32 $0x400;
	[tilespmem:s13+$0xFFFFFFC0] =	vst v7;
	v6 =	vld.idx.msk [tilespmem:v0+s18+$0x20 ss:$0x1], $0xffff;
	s18 =	smov.u32 s13  }
.LBB1_4:
0x2c: {  	p1 =	sne.s32 s19, $0xE00;
	v7 =	vld.idx.msk [tilespmem:v0+s17+$0x30 ss:$0x1], $0xffff;
	[tilespmem:s18+$0xFFFFFFD0] =	vst v5  }
0x2d: {  	v8 =	vld.idx.msk [tilespmem:v0+s17+$0xFFFFFFC0 ss:$0x1], $0xffff;
	[tilespmem:s18+$0xFFFFFFE0] =	vst v4  }
0x2e: {  	v5 =	vld.idx.msk [tilespmem:v0+s17+$0xFFFFFFD0 ss:$0x1], $0xffff;
	[tilespmem:s18+$0xFFFFFFF0] =	vst v3  }
.Ltmp3:
0x2f: {  	v4 =	vld.idx.msk [tilespmem:v0+s17+$0xFFFFFFE0 ss:$0x1], $0xffff;
	[tilespmem:s18+$0x0] =	vst v1;
	(pc) =	sbr.rel @p1 .LBB1_4-.Ltmp3, $4  }
0x30: {  	v3 =	vld.idx.msk [tilespmem:v0+s17+$0xFFFFFFF0 ss:$0x1], $0xffff;
	[tilespmem:s18+$0x10] =	vst v2  }
0x31: {  	v1 =	vld.idx.msk [tilespmem:v0+s17+$0x0 ss:$0x1], $0xffff;
	[tilespmem:s18+$0x20] =	vst v6;
	s18 =	sadd.s32 $0x800, s18  }
0x32: {  	v2 =	vld.idx.msk [tilespmem:v0+s17+$0x10 ss:$0x1], $0xffff;
	[tilespmem:s18+$0x30] =	vst v7  }
0x33: {  	[tilespmem:s18+$0xFFFFFFC0] =	vst v8;
	v6 =	vld.idx.msk [tilespmem:v0+s17+$0x20 ss:$0x1], $0xffff;
	s17 =	sshra.s32 s19, $0x2;
	s19 =	sadd.s32 $0x200, s19  }
0x34: {  	_ =	sdelay $0x2  }
0x35: {  	[tilespmem:s18+$0xFFFFFFD0] =	vst v5  }
0x36: {  	v56 =	vld.idx.msk [tilespmem:v0+s17+$0x30 ss:$0x1], $0xffff;
	[tilespmem:s18+$0xFFFFFFE0] =	vst v4  }
0x37: {  	v57 =	vld.idx.msk [tilespmem:v0+s17+$0xFFFFFFC0 ss:$0x1], $0xffff;
	[tilespmem:s18+$0xFFFFFFF0] =	vst v3  }
0x38: {  	v58 =	vld.idx.msk [tilespmem:v0+s17+$0xFFFFFFD0 ss:$0x1], $0xffff;
	[tilespmem:s18+$0x0] =	vst v1  }
0x39: {  	v59 =	vld.idx.msk [tilespmem:v0+s17+$0xFFFFFFE0 ss:$0x1], $0xffff;
	[tilespmem:s18+$0x10] =	vst v2  }
0x3a: {  	v60 =	vld.idx.msk [tilespmem:v0+s17+$0xFFFFFFF0 ss:$0x1], $0xffff;
	s31 =	sadd.s32 $0x800, s18;
	[tilespmem:s18+$0x20] =	vst v6  }
0x3b: {  	v61 =	vld.idx.msk [tilespmem:v0+s17+$0x0 ss:$0x1], $0xffff;
	[tilespmem:s31+$0x30] =	vst v56  }
0x3c: {  	v62 =	vld.idx.msk [tilespmem:v0+s17+$0x10 ss:$0x1], $0xffff;
	s16 =	sadd.s32 $0x1, s16;
	[tilespmem:s31+$0xFFFFFFC0] =	vst v57  }
0x3d: {  	v63 =	vld.idx.msk [tilespmem:v0+s17+$0x20 ss:$0x1], $0xffff;
	p1 =	sne.s32 s16, $0x10;
	[tilespmem:s31+$0xFFFFFFD0] =	vst v58  }
.Ltmp4:
0x3e: {  	[tilespmem:s31+$0xFFFFFFE0] =	vst v59;
	(pc) =	sbr.rel @p1 .LBB1_3-.Ltmp4, $4  }
0x3f: {  	[tilespmem:s31+$0xFFFFFFF0] =	vst v60  }
0x40: {  	[tilespmem:s31+$0x0] =	vst v61  }
0x41: {  	[tilespmem:s31+$0x10] =	vst v62  }
0x42: {  	s13 =	sadd.s32 $0x80, s13;
	s15 =	sadd.s32 $0x400, s15;
	[tilespmem:s31+$0x20] =	vst v63  }
.Ltmp5:
0x43: {  	(pc) =	sbr.rel .LBB1_7-.Ltmp5, $4  }
0x44: {  	s12 =	sshll.u32 s12, $0xD;
	s11 =	sshll.u32 s11, $0x4  }
0x45: {  	s11 =	sand.u32 $0x3F0, s11;
	s12 =	sadd.s32 s3, s12  }
0x46: {  	s11 =	sadd.s32 s11, s12  }
0x47: {  	[hbm4b:s11+s6] =	stream.strided.scatter [tilespmem:s14], [sflag:$0x2], $0x4000, s7, s6, $0x38;
	[tilespmem:$0x10000] =	vst v63  }
.LBB1_8:
0x48: {  	_ =	sfence.sel $0x180000  }
0x49: {  	s2 =	simm.s32 $0x1;
	[bflag:$0x0] =	sbarrier.arrive $0xFFFF  }
0x4a: {  	s31 =	simm.s32 $0x2;
	[sflag:s2] =	ssyncpa.u1 $0x1  }
0x4b: {  	[sflag:s31] =	ssyncpa.u1 $0x1  }
0x4c: {  	p0 =	sne.s32 s1, $0x0;
	_ =	strace $0x90000047  }
0x4d: {  	s0 =	sadd.s32 @!p0 $0x100000, s0;
	[bflag:$0x2] =	sbarrier.arrive $0xFFFF  }
0x4e: {  	[sflag:s0] =	ssyncadd.tile.s32 @!p0 $0x1;
	_ =	shalt  }
.Lfunc_end1:
_tile_overlayer_lowered:
.L_overlay_start_2:
0x4f: {  	(tag) =	ssettag $0x2  }
0x50: {  	s0 =	rddreg [dreg:$0x0];
	s2 =	stileid.u32  }
0x51: {  	s1 =	rddreg [dreg:$0x1];
	p0 =	sne.s32 s2, $0x0  }
0x52: {  	s3 =	rddreg [dreg:$0x2];
	[bflag:$0x3] =	sbarrier.arrive $0xFFFF;
	s2 =	simm.s32 @!p0 $0x1C01  }
0x53: {  	[timem:s3], [sflag:s2] =	dma.local @!p0 [hbm:s0], s1  }
0x54: {  	s0 =	simm.s32 @!p0 $0x1  }
0x55: {  	_ =	swait.ge @!p0 [sflag:s0], s1  }
0x56: {  	s1 =	ssub.s32 @!p0 $0x0, s1;
	[sflag:s0] =	ssyncset.done @!p0 $0x0  }
0x57: {  	[sflag:s0] =	ssyncadd.s32 @!p0 s1  }
0x58: {  	[bflag:$0x3] =	sbarrier.arrive $0xFFFF  }
0x59: {  	_ =	shalt  }

// kernel: sparse-core-data-format-call.cloned.1.call-start
scs
called_computation_lowered:
.L_overlay_start_0:
0x0: {  	s2 =	sld [smem:$0x3FD9]  }
0x1: {  	s3 =	sld [smem:$0x3FFE];
	_ =	sdelay $0x1  }
0x2: {  	s1 =	srdreg.scid  }
0x3: {  	s0 =	sand.u32 $0x1, s1  }
0x4: {  	s18 =	sshll.u32 s0, $0xA;
	s2 =	sadd.s32 s3, s2  }
0x5: {  	s2 =	sadd.s32 s2, s18  }
0x6: {  	[smem:$0x3FC7] =	sst s2  }
0x7: {  	_ = 	snop  }
0x8: {  	s2 =	sld [smem:$0x3FD0];
	(tm) =	ssettm $0x1  }
0x9: {  	s19 =	sld [smem:$0x3FFB];
	_ =	sdelay $0x3  }
0xa: {  	_ =	strace s19  }
0xb: {  	s3 =	sld [smem:$0x3FFC];
	_ =	sdelay $0x3  }
0xc: {  	_ =	strace s3  }
0xd: {  	s3 =	sld [smem:$0x3FFD];
	_ =	sdelay $0x3  }
0xe: {  	_ =	strace s3  }
0xf: {  	_ =	strace $0x8FFFFFFF  }
0x10: {  	s20 =	sld [smem:$0x3FDB];
	_ =	sdelay $0x1  }
0x11: {  	s4 =	simm.s32 $_scs_section_size  }
0x12: {  	s5 =	simm.s32 $_size__tile_overlayer_lowered;
	s6 =	simm.s32 $_tile_overlayer_lowered  }
0x13: {  	s23 =	simm.s32 $0x1BFF;
	s22 =	sshll.u32 s6, $0x1;
	s3 =	sadd.s32 s4, s20  }
0x14: {  	s7 =	simm.s32 $0x0;
	s21 =	sshll.u32 s5, $0x1;
	s5 =	sadd.s32 s22, s3  }
0x15: {  	[timem:s7], [sflag:s23] =	dma.local [hbm:s5], s21  }
0x16: {  	_ =	swait.ge [sflag:s23], s21  }
0x17: {  	s4 =	ssub.s32 $0x0, s21;
	[sflag:s23] =	ssyncset.done $0x0  }
0x18: {  	[sflag:s23] =	ssyncadd.s32 s4;
	_ =	sdelay $0x1  }
0x19: {  	s24 =	simm.s32 $0x1B8B  }
0x1a: {  	_ =	swait.ge [sflag:s24], $0x1  }
0x1b: {  	[sflag:s24] =	ssyncset.done $0x0  }
0x1c: {  	s26 =	simm.s32 $0x1B8E;
	s25 =	sld [smem:$0x3FFE];
	[sflag:s24] =	ssyncadd.s32 $0xFFFFFFFF  }
0x1d: {  	s27 =	simm.s32 $execute0_lowered;
	[smem:$0x3FD2] =	sst s26  }
0x1e: {  	s5 =	sshll.u32 s27, $0x1;
	_ =	strace $0x80000049;
	[dreg:$0x1] =	wrdreg $0xFFFFFFFF  }
0x1f: {  	s28 =	simm.s32 $_size_execute0_lowered;
	s3 =	sadd.s32 s3, s5;
	[dreg:$0x0] =	wrdreg $0x0  }
0x20: {  	s5 =	sshll.u32 s28, $0x1;
	[dreg:$0x2] =	wrdreg s3  }
0x21: {  	[dreg:$0x3] =	wrdreg s5  }
0x22: {  	[dreg:$0x4] =	wrdreg $0xC0  }
0x23: {  	_ =	task [dreg:s7], $0x5FFFF  }
0x24: {  	[dreg:$0x1] =	wrdreg $0xFFFFFFFF  }
0x25: {  	[dreg:$0x0] =	wrdreg $0x60  }
0x26: {  	[dreg:$0x2] =	wrdreg s25  }
0x27: {  	[dreg:$0x3] =	wrdreg s2  }
0x28: {  	[dreg:$0x4] =	wrdreg $0x9  }
0x29: {  	_ =	task.clear_ibuf [dreg:s7], $0x5FFFF;
	_ =	strace $0x90000049  }
0x2a: {  	s29 =	simm.s32 $0x9;
	_ =	strace $0x8000004B  }
0x2b: {  	_ =	swait.ge [sflag:s29], $0x1  }
0x2c: {  	[sflag:s29] =	ssyncadd.s32 $0xFFFFFFFF  }
0x2d: {  	_ =	strace $0x9000004B  }
0x2e: {  	_ =	sfence  }
0x2f: {  	s30 =	sld [smem:$0x0];
	_ =	sdelay $0x2  }
0x30: {  	s31 =	sshll.u32 s1, $0xD;
	s1 =	sshrl.u32 s1, $0x2  }
0x31: {  	s3 =	sand.u32 $0x4000, s31;
	s1 =	sadd.s32 s1, s30  }
0x32: {  	s0 =	sor.u32 s3, s0;
	s1 =	sshll.u32 s1, $0x11  }
0x33: {  	s0 =	sor.u32 s1, s0  }
0x34: {  	s0 =	sadd.s32 $0x8F2B, s0  }
0x35: {  	[sflag:s0] =	ssyncadd.remote.s32 $0x1  }
0x36: {  	_ =	sfence.sel $0xFFFF  }
0x37: {  	[dreg:$0x0] =	wrdreg $0xFFFFFFFF;
	(pc) =	sbr.abs _section_cstart, $3  }
0x38: {  	[dreg:$0x1] =	wrdreg $0xFFFFFFFF  }
0x39: {  	_ =	task.clear_ibuf [dreg:s7], $0x2FFFF;
	_ =	strace $0x9FFFFFFF  }
0x3a: {  	(tm) =	ssettm $0x7FFFFFFF  }
0x3b: {  	_ =	shalt  }
tec
execute0_lowered:
.L_overlay_start_1:
0x0: {  	(tag) =	ssettag $0x1  }
0x1: {  	s0 =	srdreg.scid;
	s5 =	rddreg [dreg:$0x0]  }
0x2: {  	s3 =	rddreg [dreg:$0x1];
	s1 =	sshll.u32 s0, $0x4  }
0x3: {  	s7 =	simm.s32 $0x1;
	s0 =	stileid.u32;
	s1 =	sand.u32 $0x10, s1  }
0x4: {  	s8 =	simm.s32 $0x2;
	s13 =	simm.s32 $0x0;
	s1 =	sor.u32 s0, s1  }
0x5: {  	s15 =	simm.s32 $0x0;
	s14 =	simm.s32 $0x0;
	s2 =	sshll.u32 s1, $0x7  }
0x6: {  	s9 =	simm.s32 $0x0;
	s10 =	simm.s32 $0x0;
	s6 =	ssub.s32 $0x1000, s2  }
0x7: {  	s12 =	simm.s32 $0x0;
	s5 =	sadd.s32 $0xA00, s5;
	s4 =	sand.u32 $0xF80, s6  }
.Ltmp0:
0x8: {  	s1 =	rddreg [dreg:$0x2];
	p0 =	sne.s32 s4, $0x0;
	(pc) =	sbr.rel .LBB1_1-.Ltmp0, $4  }
0x9: {  	_ =	strace $0x8000004A;
	s6 =	sshrl.u32 s6, $0xC;
	s7 =	simm.s32 @!p0 $0x0  }
0xa: {  	s11 =	smov.u32 s2;
	s4 =	simm.s32 $0x1;
	s6 =	sadd.s32 s7, s6  }
0xb: {  	[sflag:s4] =	ssyncpa.u1 $0x0;
	p0 =	por $0x0, $0x0;
	s6 =	sshll.u32 s6, $0x4  }
0xc: {  	[sflag:s8] =	ssyncpa.u1 $0x0;
	s8 =	simm.s32 $0x8000;
	s7 =	sor.u32 $0x1, s6  }
.LBB1_4:
0xd: {  	v7 =	vshrl.u32 v7, $0x8  }
0xe: {  	v22 =	vshrl.u32 v10, $0x10;
	v32 =	vshrl.u32 v10, $0x8;
	v18 =	vand.u32 $0xFF, v18  }
0xf: {  	v13 =	vpack.c.b32.b16 v14, v13;
	v33 =	vpack.c.b32.b16 v19, v15;
	v34 =	vand.u32 $0xFF, v16  }
0x10: {  	v35 =	vand.u32 $0xFF, v21;
	v36 =	vand.u32 $0xFF, v20;
	v37 =	vand.u32 $0xFF, v17  }
0x11: {  	v6 =	vpack.c.b32.b16 v9, v6;
	v40 =	vpack.c.b32.b16 v12, v11;
	v41 =	vshrl.u32 v5, $0x10  }
0x12: {  	v42 =	vshrl.u32 v5, $0x8;
	v43 =	vshrl.u32 v3, $0x10;
	v44 =	vshrl.u32 v3, $0x8  }
0x13: {  	v45 =	vshrl.u32 v2, $0x10;
	v46 =	vshrl.u32 v2, $0x8;
	v47 =	vshrl.u32 v4, $0x10  }
0x14: {  	v48 =	vshrl.u32 v4, $0x8;
	v49 =	vand.u32 $0xFF, v5;
	v50 =	vand.u32 $0xFF, v3  }
0x15: {  	v51 =	vand.u32 $0xFF, v2;
	v52 =	vand.u32 $0xFF, v4;
	v53 =	vshrl.u32 v5, $0x18  }
0x16: {  	v55 =	vshrl.u32 v3, $0x18;
	v59 =	vshrl.u32 v2, $0x18;
	v60 =	vshrl.u32 v4, $0x18  }
0x17: {  	v0 =	vpack.c.b16.b8 v1, v0;
	v7 =	vand.u32 $0xFF, v7;
	v10 =	vand.u32 $0xFF, v32  }
0x18: {  	v15 =	vpack.c.b32.b16 v35, v34;
	v38 =	vand.u32 $0xFF, v22;
	v39 =	vpack.c.b32.b16 v36, v18  }
0x19: {  	v11 =	vand.u32 $0xFF, v41;
	v12 =	vand.u32 $0xFF, v42;
	v14 =	vand.u32 $0xFF, v43  }
0x1a: {  	[tilespmem:s17+$0x3060 ss:$0x81] =	vst.msk $0xffff, v8;
	v9 =	vand.u32 $0xFF, v45;
	v8 =	vpack.c.b32.b16 v50, v49;
	v54 =	vpack.c.b32.b16 v52, v51  }
0x1b: {  	s20 =	sshra.s32 s21, $0x2;
	v16 =	vand.u32 $0xFF, v46;
	v7 =	vpack.c.b32.b16 v10, v7;
	v13 =	vpack.c.b16.b8 v33, v13  }
0x1c: {  	v17 =	vand.u32 $0xFF, v47;
	s16 =	sadd.s32 s20, s16;
	v10 =	vpack.c.b32.b16 v38, v37;
	[tilespmem:s18+$0x3060 ss:$0x81] =	vst.msk $0xffff, v0;
	v8 =	vpack.c.b16.b8 v54, v8  }
0x1d: {  	v18 =	vand.u32 $0xFF, v48;
	v7 =	vpack.c.b16.b8 v7, v15;
	v15 =	vand.u32 $0xFF, v44;
	[tilespmem:s16+$0x810 ss:$0x81] =	vst.msk $0xffff, v13  }
0x1e: {  	v57 =	vpack.c.b32.b16 v18, v16;
	v10 =	vpack.c.b16.b8 v10, v39;
	v56 =	vpack.c.b32.b16 v15, v12;
	[tilespmem:s16+$0x0 ss:$0x81] =	vst.msk $0xffff, v8  }
0x1f: {  	v6 =	vpack.c.b16.b8 v40, v6;
	v58 =	vpack.c.b32.b16 v14, v11;
	v9 =	vpack.c.b32.b16 v17, v9;
	[tilespmem:s16+$0x1830 ss:$0x81] =	vst.msk $0xffff, v7  }
0x20: {  	s29 =	sand.u32 $0x3F80, s14;
	v3 =	vpack.c.b32.b16 v55, v53;
	v2 =	vpack.c.b32.b16 v60, v59;
	[tilespmem:s16+$0x2850 ss:$0x81] =	vst.msk $0xffff, v10;
	v61 =	vpack.c.b16.b8 v57, v56  }
0x21: {  	s15 =	sshll.u32 s15, $0x12;
	s30 =	sshrl.u32 s14, $0x3;
	s17 =	sadd.s32 s3, s29;
	v62 =	vpack.c.b16.b8 v9, v58;
	[tilespmem:s16+$0x3870 ss:$0x81] =	vst.msk $0xffff, v6  }
0x22: {  	s31 =	sand.u32 $0x7, s14;
	s20 =	sand.u32 $0xF, s30;
	s15 =	sadd.s32 s15, s17;
	v63 =	vpack.c.b16.b8 v2, v3;
	[tilespmem:s16+$0x1020 ss:$0x81] =	vst.msk $0xffff, v61  }
0x23: {  	s13 =	sshll.u32 s13, $0xE;
	s14 =	sshll.u32 s31, $0x12;
	s15 =	sadd.s32 s20, s15;
	[tilespmem:s16+$0x2040 ss:$0x81] =	vst.msk $0xffff, v62  }
0x24: {  	s14 =	sor.u32 $0x400, s14;
	s13 =	sadd.s32 s13, s15;
	[tilespmem:s16+$0x3060 ss:$0x81] =	vst.msk $0xffff, v63  }
0x25: {  	[hbm4b:s13+s14] =	stream.strided.scatter [tilespmem:s19], [sflag:$0x2], $0x4000, s8, s14, $0x20;
	[tilespmem:$0x10100] =	vst v63  }
.LBB1_5:
0x26: {  	s16 =	sadd.s32 $0x4, s9  }
0x27: {  	s13 =	simm.s32 $0x1;
	p2 =	sgt.s32 s16, $0xF  }
0x28: {  	s13 =	simm.s32 @!p2 $0x0  }
0x29: {  	s17 =	sadd.s32 s13, s10  }
0x2a: {  	s19 =	smov.u32 s11;
	s13 =	sadd.s32 $0x1000, s11;
	p3 =	sgt.s32 s17, $0x3  }
0x2b: {  	s19 =	smov.u32 @p3 s13  }
0x2c: {  	p1 =	slt.u32 s12, $0x2;
	s16 =	simm.s32 @p2 $0x0;
	p2 =	sgt.s32 s19, $0xFFF  }
0x2d: {  	s18 =	simm.s32 @!p1 $0x2;
	s19 =	smov.u32 @p2 s2;
	p2 =	sne.s32 s12, s7  }
.Ltmp1:
0x2e: {  	_ =	swait.ge @!p1 [sflag:s18], $0x4000;
	(pc) =	sbr.rel @!p2 .LBB1_6-.Ltmp1, $4  }
0x2f: {  	s15 =	smov.u32 s10;
	[sflag:s18] =	ssyncset.done @!p1 $0x0  }
0x30: {  	s14 =	smov.u32 s11;
	p0 =	por !p0, !p0;
	[sflag:s18] =	ssyncadd.s32 @!p1 $0xFFFFC000  }
0x31: {  	s17 =	simm.s32 @p3 $0x0;
	s13 =	smov.u32 s9;
	s9 =	smov.u32 s16  }
0x32: {  	s10 =	smov.u32 s17;
	s12 =	sadd.s32 $0x1, s12;
	s11 =	smov.u32 s19  }
.LBB1_1:
0x33: {  	p1 =	sge.u32 s12, s6;
	s31 =	sadd.s32 $0xFFFFFFFF, s12  }
0x34: {  	s16 =	sshll.u32 @!p1 s11, $0x8;
	s17 =	sshll.u32 @!p1 s10, $0x6;
	s18 =	sshll.u32 @!p1 s9, $0x2  }
0x35: {  	s19 =	sxor.u32 @!p1 $0xFFFFFFFF, s12;
	s16 =	sadd.s32 @!p1 s5, s16;
	s18 =	sand.u32 @!p1 $0x30, s18  }
0x36: {  	s16 =	sadd.s32 @!p1 s17, s16;
	s17 =	sshll.u32 @!p1 s19, $0xE;
	s19 =	simm.s32 @!p1 $0x800  }
0x37: {  	s16 =	sadd.s32 @!p1 s18, s16;
	s17 =	sand.u32 @!p1 $0x4000, s17;
	s18 =	simm.s32 @!p1 $0x80  }
0x38: {  	[tilespmem:s17], [sflag:$0x1] =	stream.strided.gather @!p1 [hbm4b:s16+s18], $0x4000, s19, s18, $0x38;
	[tilespmem:$0x10100] =	vst v63  }
0x39: {  	p1 =	sge.u32 s31, s6  }
.Ltmp2:
0x3a: {  	_ = 	snop;
	(pc) =	sbr.rel @p1 .LBB1_5-.Ltmp2, $1  }
0x3b: {  	_ =	sdelay $0x3  }
0x3c: {  	s16 =	simm.s32 $0x1  }
0x3d: {  	_ =	swait.ge [sflag:s4], $0x4000;
	s16 =	simm.s32 @!p0 $0x0  }
0x3e: {  	[sflag:s4] =	ssyncset.done $0x0;
	s17 =	sshll.u32 s16, $0xE  }
0x3f: {  	[sflag:s4] =	ssyncadd.s32 $0xFFFFC000;
	s17 =	sor.u32 $0x40, s17  }
0x40: {  	v0 =	vld [tilespmem:s17+$0x0]  }
0x41: {  	v1 =	vld [tilespmem:s17+$0x10]  }
0x42: {  	v2 =	vld [tilespmem:s17+$0x20]  }
0x43: {  	v3 =	vld [tilespmem:s17+$0x30];
	_ =	sdelay $0x2  }
0x44: {  	v16 =	vld [tilespmem:s17+$0xFFFFFFE0];
	v4 =	vshrl.u32 v0, $0x18;
	v5 =	vand.u32 $0xFF, v0;
	v6 =	vshrl.u32 v1, $0x18  }
0x45: {  	v7 =	vand.u32 $0xFF, v1;
	v8 =	vshrl.u32 v2, $0x18;
	v9 =	vand.u32 $0xFF, v2  }
0x46: {  	s18 =	sadd.s32 $0x80, s17;
	v10 =	vshrl.u32 v3, $0x18;
	v11 =	vshrl.u32 v0, $0x10;
	v0 =	vshrl.u32 v0, $0x8  }
0x47: {  	v21 =	vld [tilespmem:s18+$0x20];
	v12 =	vand.u32 $0xFF, v3;
	v13 =	vshrl.u32 v1, $0x10;
	v1 =	vshrl.u32 v1, $0x8  }
0x48: {  	v14 =	vshrl.u32 v2, $0x10;
	v2 =	vshrl.u32 v2, $0x8;
	v15 =	vshrl.u32 v3, $0x10  }
0x49: {  	v3 =	vshrl.u32 v3, $0x8;
	v20 =	vshrl.u32 v16, $0x18;
	v11 =	vand.u32 $0xFF, v11  }
0x4a: {  	v5 =	vpack.c.b32.b16 v7, v5;
	v9 =	vpack.c.b32.b16 v12, v9;
	v0 =	vand.u32 $0xFF, v0  }
0x4b: {  	v12 =	vand.u32 $0xFF, v13;
	v1 =	vand.u32 $0xFF, v1;
	v2 =	vand.u32 $0xFF, v2  }
0x4c: {  	v7 =	vld [tilespmem:s17+$0xFFFFFFC0];
	v3 =	vand.u32 $0xFF, v3;
	v14 =	vand.u32 $0xFF, v14;
	v23 =	vshrl.u32 v21, $0x10  }
0x4d: {  	v13 =	vld [tilespmem:s17+$0xFFFFFFD0];
	v0 =	vpack.c.b32.b16 v1, v0;
	v1 =	vpack.c.b32.b16 v3, v2;
	v3 =	vand.u32 $0xFF, v15  }
0x4e: {  	v23 =	vand.u32 $0xFF, v23;
	v5 =	vpack.c.b16.b8 v9, v5;
	v9 =	vpack.c.b32.b16 v12, v11  }
0x4f: {  	v3 =	vpack.c.b32.b16 v3, v14;
	v11 =	vshrl.u32 v16, $0x8;
	v0 =	vpack.c.b16.b8 v1, v0  }
0x50: {  	v2 =	vld [tilespmem:s17+$0xFFFFFFF0];
	v1 =	vpack.c.b32.b16 v6, v4;
	v4 =	vpack.c.b32.b16 v10, v8;
	v11 =	vand.u32 $0xFF, v11  }
0x51: {  	v3 =	vpack.c.b16.b8 v3, v9;
	v6 =	vshrl.u32 v7, $0x10;
	v8 =	vshrl.u32 v7, $0x8  }
0x52: {  	v9 =	vshrl.u32 v13, $0x10;
	v10 =	vshrl.u32 v13, $0x8;
	v1 =	vpack.c.b16.b8 v4, v1  }
0x53: {  	v19 =	vld [tilespmem:s18+$0x10];
	v4 =	vshrl.u32 v16, $0x10;
	v17 =	vshrl.u32 v7, $0x18;
	v7 =	vand.u32 $0xFF, v7  }
0x54: {  	v18 =	vshrl.u32 v13, $0x18;
	v13 =	vand.u32 $0xFF, v13;
	v16 =	vand.u32 $0xFF, v16  }
0x55: {  	v12 =	vshrl.u32 v2, $0x10;
	v6 =	vand.u32 $0xFF, v6;
	v8 =	vand.u32 $0xFF, v8  }
0x56: {  	v14 =	vshrl.u32 v2, $0x8;
	v9 =	vand.u32 $0xFF, v9;
	v10 =	vand.u32 $0xFF, v10  }
0x57: {  	v15 =	vld [tilespmem:s18+$0x0];
	v4 =	vand.u32 $0xFF, v4;
	v22 =	vand.u32 $0xFF, v2;
	v2 =	vshrl.u32 v2, $0x18  }
0x58: {  	v7 =	vpack.c.b32.b16 v13, v7;
	v13 =	vand.u32 $0xFF, v19;
	v12 =	vand.u32 $0xFF, v12  }
0x59: {  	v14 =	vand.u32 $0xFF, v14;
	v8 =	vpack.c.b32.b16 v10, v8;
	v6 =	vpack.c.b32.b16 v9, v6  }
0x5a: {  	v9 =	vpack.c.b32.b16 v22, v16;
	v2 =	vpack.c.b32.b16 v2, v20;
	v16 =	vand.u32 $0xFF, v21  }
0x5b: {  	v22 =	vshrl.u32 v19, $0x10;
	v11 =	vpack.c.b32.b16 v14, v11;
	v4 =	vpack.c.b32.b16 v12, v4  }
0x5c: {  	v12 =	vpack.c.b32.b16 v18, v17;
	v14 =	vshrl.u32 v21, $0x18;
	v18 =	vshrl.u32 v15, $0x10  }
0x5d: {  	v10 =	vld [tilespmem:s18+$0x30];
	v21 =	vshrl.u32 v21, $0x8;
	v22 =	vand.u32 $0xFF, v22;
	v7 =	vpack.c.b16.b8 v9, v7  }
0x5e: {  	s16 =	smul.u32 $0x10200, s16;
	v9 =	vand.u32 $0xFF, v15;
	v21 =	vand.u32 $0xFF, v21;
	v18 =	vand.u32 $0xFF, v18  }
0x5f: {  	v8 =	vpack.c.b16.b8 v11, v8;
	v4 =	vpack.c.b16.b8 v4, v6;
	v6 =	vshrl.u32 v15, $0x18  }
0x60: {  	s16 =	sshrl.u32 s16, $0x2;
	v63 =	vld [tilespmem:s18+$0xFFFFFFF0];
	v11 =	vshrl.u32 v19, $0x18;
	v15 =	vshrl.u32 v15, $0x8;
	v19 =	vshrl.u32 v19, $0x8  }
0x61: {  	s16 =	sor.u32 $0x8000, s16;
	v9 =	vpack.c.b32.b16 v13, v9;
	v15 =	vand.u32 $0xFF, v15;
	v19 =	vand.u32 $0xFF, v19  }
0x62: {  	s17 =	sadd.s32 $0x0, s16;
	v13 =	vld [tilespmem:s18+$0xFFFFFFD0];
	v6 =	vpack.c.b32.b16 v11, v6;
	v17 =	vshrl.u32 v10, $0x18;
	v20 =	vand.u32 $0xFF, v10  }
0x63: {  	[tilespmem:s17+$0x0 ss:$0x81] =	vst.msk $0xffff, v7;
	v24 =	vshrl.u32 v10, $0x8;
	v15 =	vpack.c.b32.b16 v19, v15;
	v10 =	vshrl.u32 v10, $0x10  }
0x64: {  	v19 =	vld [tilespmem:s18+$0xFFFFFFE0];
	[tilespmem:s17+$0x1020 ss:$0x81] =	vst.msk $0xffff, v8;
	v16 =	vpack.c.b32.b16 v20, v16;
	v24 =	vand.u32 $0xFF, v24;
	v10 =	vand.u32 $0xFF, v10  }
0x65: {  	v20 =	vld [tilespmem:s18+$0xFFFFFFC0];
	v11 =	vpack.c.b32.b16 v17, v14;
	[tilespmem:s17+$0x2040 ss:$0x81] =	vst.msk $0xffff, v4;
	v4 =	vand.u32 $0xFF, v63;
	v21 =	vpack.c.b32.b16 v24, v21  }
0x66: {  	v10 =	vpack.c.b32.b16 v10, v23;
	v9 =	vpack.c.b16.b8 v16, v9;
	v16 =	vpack.c.b32.b16 v22, v18  }
0x67: {  	v18 =	vshrl.u32 v13, $0x8;
	v11 =	vpack.c.b16.b8 v11, v6;
	v22 =	vshrl.u32 v63, $0x10  }
0x68: {  	s20 =	sadd.s32 $0x80, s18;
	v15 =	vpack.c.b16.b8 v21, v15;
	v16 =	vpack.c.b16.b8 v10, v16;
	v10 =	vshrl.u32 v13, $0x10  }
0x69: {  	[tilespmem:s17+$0x810 ss:$0x81] =	vst.msk $0xffff, v5;
	v7 =	vld [tilespmem:s20+$0x20];
	v6 =	vshrl.u32 v19, $0x10;
	v21 =	vshrl.u32 v19, $0x8;
	v25 =	vshrl.u32 v19, $0x18  }
0x6a: {  	[tilespmem:s17+$0x1830 ss:$0x81] =	vst.msk $0xffff, v0;
	v19 =	vand.u32 $0xFF, v19;
	v14 =	vshrl.u32 v20, $0x10;
	v17 =	vshrl.u32 v20, $0x8  }
0x6b: {  	[tilespmem:s17+$0x2850 ss:$0x81] =	vst.msk $0xffff, v3;
	v23 =	vld [tilespmem:s20+$0x10];
	v0 =	vand.u32 $0xFF, v10;
	v10 =	vand.u32 $0xFF, v18;
	v6 =	vand.u32 $0xFF, v6  }
0x6c: {  	[tilespmem:s17+$0x3870 ss:$0x81] =	vst.msk $0xffff, v1;
	s18 =	sadd.s32 $0x1, s16;
	v3 =	vand.u32 $0xFF, v21;
	v18 =	vand.u32 $0xFF, v22;
	v1 =	vshrl.u32 v20, $0x18  }
0x6d: {  	[tilespmem:s18+$0x810 ss:$0x81] =	vst.msk $0xffff, v9;
	v20 =	vand.u32 $0xFF, v20;
	v22 =	vshrl.u32 v13, $0x18;
	v13 =	vand.u32 $0xFF, v13  }
0x6e: {  	v4 =	vpack.c.b32.b16 v4, v19;
	[tilespmem:s18+$0x1830 ss:$0x81] =	vst.msk $0xffff, v15;
	v15 =	vand.u32 $0xFF, v7;
	v5 =	vand.u32 $0xFF, v14  }
0x6f: {  	v14 =	vand.u32 $0xFF, v17;
	v17 =	vshrl.u32 v63, $0x8;
	v6 =	vpack.c.b32.b16 v18, v6  }
0x70: {  	v21 =	vld [tilespmem:s20+$0x0];
	v9 =	vpack.c.b32.b16 v13, v20;
	v20 =	vshrl.u32 v23, $0x10;
	v17 =	vand.u32 $0xFF, v17  }
0x71: {  	[tilespmem:s18+$0x2850 ss:$0x81] =	vst.msk $0xffff, v16;
	v8 =	vpack.c.b32.b16 v10, v14;
	v14 =	vshrl.u32 v63, $0x18;
	v5 =	vpack.c.b32.b16 v0, v5  }
0x72: {  	s19 =	sand.u32 $0x1, s12;
	v10 =	vld [tilespmem:s20+$0x30];
	v0 =	vpack.c.b32.b16 v22, v1;
	[tilespmem:s18+$0x3870 ss:$0x81] =	vst.msk $0xffff, v11;
	v11 =	vshrl.u32 v7, $0x18;
	v3 =	vpack.c.b32.b16 v17, v3  }
0x73: {  	s19 =	smul.u32 $0x10200, s19;
	v1 =	vpack.c.b32.b16 v14, v25;
	v4 =	vpack.c.b16.b8 v4, v9;
	v9 =	vshrl.u32 v23, $0x18  }
0x74: {  	v14 =	vand.u32 $0xFF, v23;
	v22 =	vpack.c.b16.b8 v6, v5;
	v5 =	vld [tilespmem:s20+$0xFFFFFFC0];
	v17 =	vpack.c.b16.b8 v3, v8  }
0x75: {  	s19 =	sshrl.u32 s19, $0x2;
	v6 =	vshrl.u32 v21, $0x18;
	v8 =	vpack.c.b16.b8 v2, v12;
	v3 =	vld [tilespmem:s20+$0xFFFFFFD0];
	v13 =	vand.u32 $0xFF, v21;
	[tilespmem:s18+$0x0 ss:$0x81] =	vst.msk $0xffff, v4  }
0x76: {  	s22 =	simm.s32 $0xC;
	s19 =	sor.u32 $0x8000, s19;
	v2 =	vld [tilespmem:s20+$0xFFFFFFE0];
	v18 =	vshrl.u32 v21, $0x10;
	v16 =	vshrl.u32 v21, $0x8;
	v21 =	vshrl.u32 v23, $0x8;
	[tilespmem:s18+$0x1020 ss:$0x81] =	vst.msk $0xffff, v17  }
0x77: {  	s21 =	simm.s32 $0x8;
	v4 =	vld [tilespmem:s20+$0xFFFFFFF0];
	v12 =	vshrl.u32 v10, $0x18;
	v19 =	vand.u32 $0xFF, v10;
	v17 =	vshrl.u32 v7, $0x10;
	[tilespmem:s18+$0x2040 ss:$0x81] =	vst.msk $0xffff, v22  }
.LBB1_3:
0x78: {  	p1 =	sne.s32 s22, $0x1FC;
	v7 =	vshrl.u32 v7, $0x8;
	v22 =	vshrl.u32 v10, $0x10;
	v10 =	vshrl.u32 v10, $0x8;
	[tilespmem:s17+$0x3060 ss:$0x81] =	vst.msk $0xffff, v8;
	s17 =	smov.u32 s18  }
0x79: {  	v8 =	vand.u32 $0xFF, v18;
	v13 =	vpack.c.b32.b16 v14, v13;
	v14 =	vpack.c.b32.b16 v19, v15  }
0x7a: {  	v15 =	vand.u32 $0xFF, v16;
	v16 =	vand.u32 $0xFF, v20;
	v18 =	vand.u32 $0xFF, v21  }
0x7b: {  	v17 =	vand.u32 $0xFF, v17;
	v7 =	vand.u32 $0xFF, v7;
	v10 =	vand.u32 $0xFF, v10  }
0x7c: {  	v19 =	vand.u32 $0xFF, v22;
	v15 =	vpack.c.b32.b16 v18, v15;
	v7 =	vpack.c.b32.b16 v10, v7  }
0x7d: {  	s18 =	sshra.s32 s21, $0x2;
	s21 =	smov.u32 s22;
	v8 =	vpack.c.b32.b16 v16, v8;
	v10 =	vpack.c.b16.b8 v14, v13;
	v13 =	vpack.c.b32.b16 v19, v17  }
0x7e: {  	v6 =	vpack.c.b32.b16 v9, v6;
	v9 =	vpack.c.b32.b16 v12, v11;
	s18 =	sadd.s32 s18, s16;
	v7 =	vpack.c.b16.b8 v7, v15  }
0x7f: {  	v11 =	vshrl.u32 v5, $0x10;
	v12 =	vshrl.u32 v5, $0x8;
	v8 =	vpack.c.b16.b8 v13, v8;
	[tilespmem:s18+$0x810 ss:$0x81] =	vst.msk $0xffff, v10  }
0x80: {  	v6 =	vpack.c.b16.b8 v9, v6;
	v13 =	vshrl.u32 v3, $0x8;
	v10 =	vshrl.u32 v3, $0x10;
	[tilespmem:s18+$0x1830 ss:$0x81] =	vst.msk $0xffff, v7  }
0x81: {  	v9 =	vshrl.u32 v2, $0x8;
	v14 =	vshrl.u32 v4, $0x10;
	v7 =	vshrl.u32 v2, $0x10;
	[tilespmem:s18+$0x2850 ss:$0x81] =	vst.msk $0xffff, v8  }
0x82: {  	v8 =	vand.u32 $0xFF, v11;
	v11 =	vand.u32 $0xFF, v12;
	v12 =	vshrl.u32 v4, $0x8;
	[tilespmem:s18+$0x3870 ss:$0x81] =	vst.msk $0xffff, v6  }
0x83: {  	v6 =	vand.u32 $0xFF, v10;
	v10 =	vand.u32 $0xFF, v13;
	v13 =	vand.u32 $0xFF, v7  }
0x84: {  	s20 =	sadd.s32 $0x80, s20;
	v9 =	vand.u32 $0xFF, v9;
	v14 =	vand.u32 $0xFF, v14;
	v12 =	vand.u32 $0xFF, v12  }
0x85: {  	v17 =	vshrl.u32 v3, $0x18;
	v15 =	vshrl.u32 v5, $0x18;
	v5 =	vand.u32 $0xFF, v5;
	v16 =	vld [tilespmem:s20+$0x0]  }
0x86: {  	v18 =	vand.u32 $0xFF, v3;
	v19 =	vshrl.u32 v2, $0x18;
	v2 =	vand.u32 $0xFF, v2;
	v21 =	vld [tilespmem:s20+$0x10]  }
0x87: {  	v20 =	vshrl.u32 v4, $0x18;
	v4 =	vand.u32 $0xFF, v4;
	v11 =	vpack.c.b32.b16 v10, v11;
	v7 =	vld [tilespmem:s20+$0x20]  }
0x88: {  	v9 =	vpack.c.b32.b16 v12, v9;
	v6 =	vpack.c.b32.b16 v6, v8;
	v8 =	vpack.c.b32.b16 v14, v13;
	v10 =	vld [tilespmem:s20+$0x30]  }
0x89: {  	v5 =	vpack.c.b32.b16 v18, v5;
	v12 =	vpack.c.b32.b16 v4, v2;
	v13 =	vpack.c.b32.b16 v17, v15;
	v3 =	vld [tilespmem:s20+$0xFFFFFFD0]  }
0x8a: {  	v17 =	vpack.c.b16.b8 v9, v11;
	v22 =	vpack.c.b16.b8 v8, v6;
	v11 =	vpack.c.b32.b16 v20, v19;
	v2 =	vld [tilespmem:s20+$0xFFFFFFE0]  }
.Ltmp3:
0x8b: {  	v18 =	vpack.c.b16.b8 v12, v5;
	v8 =	vpack.c.b16.b8 v1, v0;
	v0 =	vmovc v13;
	v6 =	vshrl.u32 v16, $0x18;
	v4 =	vld [tilespmem:s20+$0xFFFFFFF0];
	(pc) =	sbr.rel @p1 .LBB1_3-.Ltmp3, $4  }
0x8c: {  	v1 =	vmovc v11;
	v13 =	vand.u32 $0xFF, v16;
	v9 =	vshrl.u32 v21, $0x18;
	v14 =	vand.u32 $0xFF, v21;
	v5 =	vld [tilespmem:s20+$0xFFFFFFC0]  }
0x8d: {  	v11 =	vshrl.u32 v7, $0x18;
	v15 =	vand.u32 $0xFF, v7;
	v12 =	vshrl.u32 v10, $0x18;
	[tilespmem:s18+$0x0 ss:$0x81] =	vst.msk $0xffff, v18  }
0x8e: {  	v18 =	vshrl.u32 v16, $0x10;
	v16 =	vshrl.u32 v16, $0x8;
	v19 =	vand.u32 $0xFF, v10;
	[tilespmem:s18+$0x1020 ss:$0x81] =	vst.msk $0xffff, v17  }
0x8f: {  	s22 =	sadd.s32 $0x4, s22;
	v20 =	vshrl.u32 v21, $0x10;
	v21 =	vshrl.u32 v21, $0x8;
	v17 =	vshrl.u32 v7, $0x10;
	[tilespmem:s18+$0x2040 ss:$0x81] =	vst.msk $0xffff, v22  }
.Ltmp4:
0x90: {  	_ = 	snop;
	(pc) =	sbr.rel .LBB1_4-.Ltmp4, $1  }
0x91: {  	_ =	sdelay $0x3  }
.LBB1_6:
0x92: {  	_ =	sfence.sel $0x180000  }
0x93: {  	s2 =	simm.s32 $0x1;
	[bflag:$0x0] =	sbarrier.arrive $0xFFFF  }
0x94: {  	s31 =	simm.s32 $0x2;
	[sflag:s2] =	ssyncpa.u1 $0x1  }
0x95: {  	[sflag:s31] =	ssyncpa.u1 $0x1  }
0x96: {  	p0 =	sne.s32 s0, $0x0;
	_ =	strace $0x9000004A  }
0x97: {  	s0 =	sadd.s32 @!p0 $0x100000, s1;
	[bflag:$0x2] =	sbarrier.arrive $0xFFFF  }
0x98: {  	[sflag:s0] =	ssyncadd.tile.s32 @!p0 $0x1;
	_ =	shalt  }
.Lfunc_end1:
_tile_overlayer_lowered:
.L_overlay_start_2:
0x99: {  	(tag) =	ssettag $0x2  }
0x9a: {  	s0 =	rddreg [dreg:$0x0];
	s2 =	stileid.u32  }
0x9b: {  	s1 =	rddreg [dreg:$0x1];
	p0 =	sne.s32 s2, $0x0  }
0x9c: {  	s3 =	rddreg [dreg:$0x2];
	[bflag:$0x3] =	sbarrier.arrive $0xFFFF;
	s2 =	simm.s32 @!p0 $0x1C01  }
0x9d: {  	[timem:s3], [sflag:s2] =	dma.local @!p0 [hbm:s0], s1  }
0x9e: {  	s0 =	simm.s32 @!p0 $0x1  }
0x9f: {  	_ =	swait.ge @!p0 [sflag:s0], s1  }
0xa0: {  	s1 =	ssub.s32 @!p0 $0x0, s1;
	[sflag:s0] =	ssyncset.done @!p0 $0x0  }
0xa1: {  	[sflag:s0] =	ssyncadd.s32 @!p0 s1  }
0xa2: {  	[bflag:$0x3] =	sbarrier.arrive $0xFFFF  }
0xa3: {  	_ =	shalt  }

</sc_bundles>
